<compile_context>
chip_gen: v7x
topology: tpu7x:2x2x1
jax: 0.10.2.dev20260603
libtpu: 0.0.44.dev20260713+nightly
codegen_flags: <defaults>
</compile_context>

<pallas_src>
import jax
import jax.numpy as jnp
from jax import lax
from jax.experimental import pallas as pl
from jax.experimental.pallas import tpu as pltpu
from jax.experimental.pallas import tpu_sc as plsc

B = 4096
S = 50
D = 144
TD = 24
V = 100000
N_ROWS = B * S
NC, NS = 2, 16
NW = NC * NS
BW = B // NW
BB = 4096
VB = 8192



def _pre_body(tt_ref, lo_ref, hi_ref):
    x = jnp.transpose(tt_ref[...], (1, 0))
    lo_ref[...] = x[:, :128]
    hi_ref[...] = jnp.concatenate(
        [x[:, 128:], jnp.zeros((VB, 128 - (D - 128)), jnp.float32)], axis=1)


def _pre_call(tab_t):
    spec = pl.BlockSpec((VB, 128), lambda i: (i, 0))
    return pl.pallas_call(
        _pre_body,
        grid=(pl.cdiv(V, VB),),
        in_specs=[pl.BlockSpec((D, VB), lambda i: (0, i))],
        out_specs=[spec, spec],
        out_shape=[jax.ShapeDtypeStruct((V, 128), jnp.float32)] * 2,
    )(tab_t)



def _sc_body(idst_hbm, tlo_hbm, thi_hbm, lo_hbm, hi_hbm,
             idx_all, rlo0, rlo1, rhi0, rhi1, gs0, gs1, os0, os1):
    wid = lax.axis_index("s") * NC + lax.axis_index("c")
    b0 = wid * BW
    rlos = (rlo0, rlo1)
    rhis = (rhi0, rhi1)
    gsems = (gs0, gs1)
    osems = (os0, os1)

    pltpu.sync_copy(idst_hbm.at[:, pl.ds(b0, BW)], idx_all)

    def gstart(s, b):
        pltpu.async_copy(tlo_hbm.at[idx_all.at[s]], rlos[b], gsems[b])
        pltpu.async_copy(thi_hbm.at[idx_all.at[s]], rhis[b], gsems[b])

    def gwait(s, b):
        pltpu.make_async_copy(tlo_hbm.at[idx_all.at[s]], rlos[b],
                              gsems[b]).wait()
        pltpu.make_async_copy(thi_hbm.at[idx_all.at[s]], rhis[b],
                              gsems[b]).wait()

    def ostart(s, b):
        r0 = s * B + b0
        pltpu.async_copy(rlos[b], lo_hbm.at[pl.ds(r0, BW)], osems[b])
        pltpu.async_copy(rhis[b], hi_hbm.at[pl.ds(r0, BW)], osems[b])

    def owait(s, b):
        r0 = s * B + b0
        pltpu.make_async_copy(rlos[b], lo_hbm.at[pl.ds(r0, BW)],
                              osems[b]).wait()
        pltpu.make_async_copy(rhis[b], hi_hbm.at[pl.ds(r0, BW)],
                              osems[b]).wait()

    gstart(0, 0)

    def two_steps(i, carry):
        for b in (0, 1):
            s = 2 * i + b
            nb = 1 - b

            @pl.when(s >= 1)
            def _():
                owait(s - 1, nb)

            @pl.when(s + 1 < S)
            def _():
                gstart(s + 1, nb)

            gwait(s, b)
            ostart(s, b)
        return carry

    lax.fori_loop(0, S // 2, two_steps, 0)
    owait(S - 1, 1)


_mesh = plsc.VectorSubcoreMesh(core_axis_name="c", subcore_axis_name="s")
_sc_out = (
    jax.ShapeDtypeStruct((N_ROWS, 128), jnp.float32),
    jax.ShapeDtypeStruct((N_ROWS, 128), jnp.float32),
)
_sc_scratch = [
    pltpu.VMEM((S, BW), jnp.int32),
    pltpu.VMEM((BW, 128), jnp.float32),
    pltpu.VMEM((BW, 128), jnp.float32),
    pltpu.VMEM((BW, 128), jnp.float32),
    pltpu.VMEM((BW, 128), jnp.float32),
    pltpu.SemaphoreType.DMA,
    pltpu.SemaphoreType.DMA,
    pltpu.SemaphoreType.DMA,
    pltpu.SemaphoreType.DMA,
]
_sc_call = pl.kernel(_sc_body, out_type=_sc_out, mesh=_mesh,
                     scratch_types=_sc_scratch,
                     compiler_params=pltpu.CompilerParams(
                         use_tc_tiling_on_sc=False))



def _tc_body(lo_ref, hi_ref, x_ref, *out_refs):
    lo = lo_ref[...]
    hi = hi_ref[...]
    loT = jnp.transpose(lo, (1, 0))
    hiT = jnp.transpose(hi, (1, 0))
    raw = jnp.concatenate([loT, hiT[:16]], axis=0)
    x_ref[0, :, :] = raw
    sp = jnp.maximum(raw[:48], 0.0) + jnp.log1p(jnp.exp(-jnp.abs(raw[:48])))
    sg = jax.nn.sigmoid(raw[48:])
    act = jnp.concatenate([sp, sg], axis=0)
    for k, o in enumerate(out_refs):
        o[0, :, :] = act[TD * k:TD * (k + 1), :]


def _tc_call(lo, hi):
    grid = (S, B // BB)
    in_spec = pl.BlockSpec((BB, 128), lambda s, j: (s * (B // BB) + j, 0))
    x_spec = pl.BlockSpec((1, D, BB), lambda s, j: (s, 0, j))
    a_spec = pl.BlockSpec((1, TD, BB), lambda s, j: (s, 0, j))
    return pl.pallas_call(
        _tc_body,
        grid=grid,
        in_specs=[in_spec, in_spec],
        out_specs=[x_spec] + [a_spec] * 6,
        out_shape=[jax.ShapeDtypeStruct((S, D, B), jnp.float32)] +
                  [jax.ShapeDtypeStruct((S, TD, B), jnp.float32)] * 6,
    )(lo, hi)


def kernel(quant_ids, quant_embedding_weight):
    ids_t = jnp.transpose(quant_ids).astype(jnp.int32)
    tab_lo, tab_hi = _pre_call(jnp.transpose(quant_embedding_weight))
    lo, hi = _sc_call(ids_t, tab_lo, tab_hi)
    x_t, qs, dz, ts, rs, th, rh = _tc_call(lo, hi)
    tr = lambda a: jnp.transpose(a, (2, 0, 1))
    return (tr(x_t), tr(qs), tr(dz), tr(rh), tr(th), tr(rs), tr(ts))

# --- scband reference (transcript-rebuilt; emitter-appended) ---
"""Pipeline reference for scband-statistical-model-7911329759359 (READ-ONLY COPY).

The authoritative reference and input builder live on the scoring server;
editing this copy changes nothing except your own understanding.
"""

import jax, jax.numpy as jnp
import numpy as np

TOTAL_DIM = 24  # latent_dim(20) + state_dim(4)
EMB_DIM = 6 * TOTAL_DIM  # 144
QUANT_LEVELS = 100000


def setup_inputs(seed: int = 0) -> dict:
    key = jax.random.key(seed)
    k1, k2 = jax.random.split(key)
    quant_ids = jax.random.randint(k1, (4096, 50), 0, QUANT_LEVELS, dtype=jnp.int64 if jax.config.jax_enable_x64 else jnp.int32)
    # Learned embedding table (the torch module zero-inits; we use small random values
    # so the math paths are exercised).
    quant_embedding_weight = jax.random.normal(k2, (QUANT_LEVELS, EMB_DIM), dtype=jnp.float32) * 0.02
    return {"quant_ids": quant_ids, "quant_embedding_weight": quant_embedding_weight}


def reference(quant_ids, quant_embedding_weight):
    td = TOTAL_DIM
    # nn.Embedding lookup -> gather rows
    x = jnp.take(quant_embedding_weight, quant_ids, axis=0)
    quant_scale = jax.nn.softplus(x[..., 0 * td:1 * td])
    dead_zone = jax.nn.softplus(x[..., 1 * td:2 * td])
    theta_soft = jax.nn.sigmoid(x[..., 2 * td:3 * td])
    r_soft = jax.nn.sigmoid(x[..., 3 * td:4 * td])
    theta_hard = jax.nn.sigmoid(x[..., 4 * td:5 * td])
    r_hard = jax.nn.sigmoid(x[..., 5 * td:6 * td])
    # torch module returns a dict; return the same tensors as a tuple in dict order
    return (x, quant_scale, dead_zone, r_hard, theta_hard, r_soft, theta_soft)

if __name__ == "__main__":
    import jax
    _d = setup_inputs()
    print(jax.jit(kernel)(*tuple(_d.values())))

</pallas_src>

<mosaic_0001>
#map = affine_map<(d0, d1) -> (0, 0)>
module attributes {stable_mosaic.version = 14 : i64} {
  func.func @_sc_body(%arg0: i32, %arg1: i32, %arg2: memref<50x4096xi32, #tpu.memory_space<hbm>>, %arg3: memref<100000x128xf32, #tpu.memory_space<hbm>>, %arg4: memref<100000x128xf32, #tpu.memory_space<hbm>>, %arg5: memref<204800x128xf32, #tpu.memory_space<hbm>>, %arg6: memref<204800x128xf32, #tpu.memory_space<hbm>>, %arg7: memref<50x128xi32, #tpu.memory_space<vmem>>, %arg8: memref<128x128xf32, #tpu.memory_space<vmem>>, %arg9: memref<128x128xf32, #tpu.memory_space<vmem>>, %arg10: memref<128x128xf32, #tpu.memory_space<vmem>>, %arg11: memref<128x128xf32, #tpu.memory_space<vmem>>, %arg12: memref<!tpu.dma_semaphore, #tpu.memory_space<semaphore_mem>>, %arg13: memref<!tpu.dma_semaphore, #tpu.memory_space<semaphore_mem>>, %arg14: memref<!tpu.dma_semaphore, #tpu.memory_space<semaphore_mem>>, %arg15: memref<!tpu.dma_semaphore, #tpu.memory_space<semaphore_mem>>) attributes {dimension_semantics = [#tpu.dimension_semantics<core_parallel>, #tpu.dimension_semantics<subcore_parallel>], iteration_bounds = array<i64: 2, 16>, scalar_prefetch = 0 : i64, scratch_operands = 9 : i64, tpu.core_type = #tpu.core_type<sc_vector_subcore>, window_params = [{transform_indices = #map}, {transform_indices = #map}, {transform_indices = #map}, {transform_indices = #map}, {transform_indices = #map}]} {
    %mul3A = arith.constant 2 : i32
    %mul3A_0 = arith.muli %arg1, %mul3A : i32
    %add3A = arith.addi %mul3A_0, %arg0 : i32
    %mul3A_1 = arith.constant 128 : i32
    %mul3A_2 = arith.muli %add3A, %mul3A_1 : i32
    "tpu.region"() ({
      %run_scoped3A = tpu.sem_alloc : memref<!tpu.dma_semaphore, #tpu.memory_space<semaphore_mem>>
      %dma_start3A_30 = arith.constant 0 : i32
      %dma_start3A_31 = tpu.memref_slice %arg2[%dma_start3A_30, %mul3A_2] : memref<50x4096xi32, #tpu.memory_space<hbm>> -> memref<50x128xi32, #tpu.memory_space<hbm>>
      %dma_start3A_32 = arith.constant 0 : i32
      %dma_start3A_33 = tpu.memref_slice %arg2[%dma_start3A_32, %mul3A_2] : memref<50x4096xi32, #tpu.memory_space<hbm>> -> memref<50x128xi32, #tpu.memory_space<hbm>>
      tpu.enqueue_dma source(%dma_start3A_33 : memref<50x128xi32, #tpu.memory_space<hbm>>) target(%arg7 : memref<50x128xi32, #tpu.memory_space<vmem>>) target_semaphore(%run_scoped3A : memref<!tpu.dma_semaphore, #tpu.memory_space<semaphore_mem>>)
      %dma_wait3A_34 = arith.constant 0 : i32
      %dma_wait3A_35 = tpu.memref_slice %arg2[%dma_wait3A_34, %mul3A_2] : memref<50x4096xi32, #tpu.memory_space<hbm>> -> memref<50x128xi32, #tpu.memory_space<hbm>>
      %dma_wait3A_36 = arith.constant 0 : i32
      %dma_wait3A_37 = tpu.memref_slice %arg2[%dma_wait3A_36, %mul3A_2] : memref<50x4096xi32, #tpu.memory_space<hbm>> -> memref<50x128xi32, #tpu.memory_space<hbm>>
      tpu.wait_dma2 semaphore(%run_scoped3A : memref<!tpu.dma_semaphore, #tpu.memory_space<semaphore_mem>>) src(%dma_wait3A_37 : memref<50x128xi32, #tpu.memory_space<hbm>>) dst(%arg7 : memref<50x128xi32, #tpu.memory_space<vmem>>)
      tpu.yield
    }) : () -> ()
    %dma_start3A = arith.constant 0 : i32
    %dma_start3A_3 = arith.constant 0 : i32
    %dma_start3A_4 = tpu.memref_slice %arg7[%dma_start3A, %dma_start3A_3] : memref<50x128xi32, #tpu.memory_space<vmem>> -> memref<1x128xi32, #tpu.memory_space<vmem>>
    %dma_start3A_5 = tpu.memref_squeeze %dma_start3A_4 : memref<1x128xi32, #tpu.memory_space<vmem>> -> memref<128xi32, #tpu.memory_space<vmem>>
    %dma_start3A_6 = arith.constant 0 : i32
    %dma_start3A_7 = arith.constant 0 : i32
    %dma_start3A_8 = tpu.memref_slice %arg3[%dma_start3A_6, %dma_start3A_7] : memref<100000x128xf32, #tpu.memory_space<hbm>> -> memref<100000x128xf32, #tpu.memory_space<hbm>>
    tpu.enqueue_indirect_dma source(%dma_start3A_8 : memref<100000x128xf32, #tpu.memory_space<hbm>>) target(%arg8 : memref<128x128xf32, #tpu.memory_space<vmem>>) offsets(%dma_start3A_5 : memref<128xi32, #tpu.memory_space<vmem>>) semaphore(%arg12 : memref<!tpu.dma_semaphore, #tpu.memory_space<semaphore_mem>>)
    %dma_start3A_9 = arith.constant 0 : i32
    %dma_start3A_10 = arith.constant 0 : i32
    %dma_start3A_11 = tpu.memref_slice %arg7[%dma_start3A_9, %dma_start3A_10] : memref<50x128xi32, #tpu.memory_space<vmem>> -> memref<1x128xi32, #tpu.memory_space<vmem>>
    %dma_start3A_12 = tpu.memref_squeeze %dma_start3A_11 : memref<1x128xi32, #tpu.memory_space<vmem>> -> memref<128xi32, #tpu.memory_space<vmem>>
    %dma_start3A_13 = arith.constant 0 : i32
    %dma_start3A_14 = arith.constant 0 : i32
    %dma_start3A_15 = tpu.memref_slice %arg4[%dma_start3A_13, %dma_start3A_14] : memref<100000x128xf32, #tpu.memory_space<hbm>> -> memref<100000x128xf32, #tpu.memory_space<hbm>>
    tpu.enqueue_indirect_dma source(%dma_start3A_15 : memref<100000x128xf32, #tpu.memory_space<hbm>>) target(%arg10 : memref<128x128xf32, #tpu.memory_space<vmem>>) offsets(%dma_start3A_12 : memref<128xi32, #tpu.memory_space<vmem>>) semaphore(%arg12 : memref<!tpu.dma_semaphore, #tpu.memory_space<semaphore_mem>>)
    %scan3A = arith.constant 0 : i32
    %scan3A_16 = arith.constant 0 : i32
    %scan3A_17 = arith.constant 25 : i32
    %scan3A_18 = arith.addi %scan3A_16, %scan3A_17 : i32
    %scan3A_19 = arith.constant 1 : i32
    scf.for %scan3A_30 = %scan3A_16 to %scan3A_18 step %scan3A_19  : i32 {
      %mul3A_31 = arith.constant 2 : i32
      %mul3A_32 = arith.muli %mul3A_31, %scan3A_30 : i32
      %add3A_33 = arith.constant 0 : i32
      %add3A_34 = arith.addi %mul3A_32, %add3A_33 : i32
      %ge3A = arith.constant 1 : i32
      %ge3A_35 = arith.cmpi sge, %add3A_34, %ge3A : i32
      %convert_element_type3A = arith.extui %ge3A_35 : i1 to i32
      %cond3A = arith.constant 0 : i32
      %cond3A_36 = arith.cmpi ne, %convert_element_type3A, %cond3A : i32
      scf.if %cond3A_36 {
        %sub3A = arith.constant 1 : i32
        %sub3A_105 = arith.subi %add3A_34, %sub3A : i32
        %mul3A_106 = arith.constant 4096 : i32
        %mul3A_107 = arith.muli %sub3A_105, %mul3A_106 : i32
        %add3A_108 = arith.addi %mul3A_107, %mul3A_2 : i32
        %dma_wait3A_109 = arith.constant 0 : i32
        %dma_wait3A_110 = tpu.memref_slice %arg5[%add3A_108, %dma_wait3A_109] : memref<204800x128xf32, #tpu.memory_space<hbm>> -> memref<128x128xf32, #tpu.memory_space<hbm>>
        %dma_wait3A_111 = arith.constant 0 : i32
        %dma_wait3A_112 = tpu.memref_slice %arg5[%add3A_108, %dma_wait3A_111] : memref<204800x128xf32, #tpu.memory_space<hbm>> -> memref<128x128xf32, #tpu.memory_space<hbm>>
        tpu.wait_dma2 semaphore(%arg15 : memref<!tpu.dma_semaphore, #tpu.memory_space<semaphore_mem>>) src(%arg9 : memref<128x128xf32, #tpu.memory_space<vmem>>) dst(%dma_wait3A_112 : memref<128x128xf32, #tpu.memory_space<hbm>>)
        %dma_wait3A_113 = arith.constant 0 : i32
        %dma_wait3A_114 = tpu.memref_slice %arg6[%add3A_108, %dma_wait3A_113] : memref<204800x128xf32, #tpu.memory_space<hbm>> -> memref<128x128xf32, #tpu.memory_space<hbm>>
        %dma_wait3A_115 = arith.constant 0 : i32
        %dma_wait3A_116 = tpu.memref_slice %arg6[%add3A_108, %dma_wait3A_115] : memref<204800x128xf32, #tpu.memory_space<hbm>> -> memref<128x128xf32, #tpu.memory_space<hbm>>
        tpu.wait_dma2 semaphore(%arg15 : memref<!tpu.dma_semaphore, #tpu.memory_space<semaphore_mem>>) src(%arg11 : memref<128x128xf32, #tpu.memory_space<vmem>>) dst(%dma_wait3A_116 : memref<128x128xf32, #tpu.memory_space<hbm>>)
      } else {
      }
      %add3A_37 = arith.constant 1 : i32
      %add3A_38 = arith.addi %add3A_34, %add3A_37 : i32
      %lt3A = arith.constant 50 : i32
      %lt3A_39 = arith.cmpi slt, %add3A_38, %lt3A : i32
      %convert_element_type3A_40 = arith.extui %lt3A_39 : i1 to i32
      %cond3A_41 = arith.constant 0 : i32
      %cond3A_42 = arith.cmpi ne, %convert_element_type3A_40, %cond3A_41 : i32
      scf.if %cond3A_42 {
        %add3A_105 = arith.constant 1 : i32
        %add3A_106 = arith.addi %add3A_34, %add3A_105 : i32
        %dma_start3A_107 = arith.constant 0 : i32
        %dma_start3A_108 = tpu.memref_slice %arg7[%add3A_106, %dma_start3A_107] : memref<50x128xi32, #tpu.memory_space<vmem>> -> memref<1x128xi32, #tpu.memory_space<vmem>>
        %dma_start3A_109 = tpu.memref_squeeze %dma_start3A_108 : memref<1x128xi32, #tpu.memory_space<vmem>> -> memref<128xi32, #tpu.memory_space<vmem>>
        %dma_start3A_110 = arith.constant 0 : i32
        %dma_start3A_111 = arith.constant 0 : i32
        %dma_start3A_112 = tpu.memref_slice %arg3[%dma_start3A_110, %dma_start3A_111] : memref<100000x128xf32, #tpu.memory_space<hbm>> -> memref<100000x128xf32, #tpu.memory_space<hbm>>
        tpu.enqueue_indirect_dma source(%dma_start3A_112 : memref<100000x128xf32, #tpu.memory_space<hbm>>) target(%arg9 : memref<128x128xf32, #tpu.memory_space<vmem>>) offsets(%dma_start3A_109 : memref<128xi32, #tpu.memory_space<vmem>>) semaphore(%arg13 : memref<!tpu.dma_semaphore, #tpu.memory_space<semaphore_mem>>)
        %dma_start3A_113 = arith.constant 0 : i32
        %dma_start3A_114 = tpu.memref_slice %arg7[%add3A_106, %dma_start3A_113] : memref<50x128xi32, #tpu.memory_space<vmem>> -> memref<1x128xi32, #tpu.memory_space<vmem>>
        %dma_start3A_115 = tpu.memref_squeeze %dma_start3A_114 : memref<1x128xi32, #tpu.memory_space<vmem>> -> memref<128xi32, #tpu.memory_space<vmem>>
        %dma_start3A_116 = arith.constant 0 : i32
        %dma_start3A_117 = arith.constant 0 : i32
        %dma_start3A_118 = tpu.memref_slice %arg4[%dma_start3A_116, %dma_start3A_117] : memref<100000x128xf32, #tpu.memory_space<hbm>> -> memref<100000x128xf32, #tpu.memory_space<hbm>>
        tpu.enqueue_indirect_dma source(%dma_start3A_118 : memref<100000x128xf32, #tpu.memory_space<hbm>>) target(%arg11 : memref<128x128xf32, #tpu.memory_space<vmem>>) offsets(%dma_start3A_115 : memref<128xi32, #tpu.memory_space<vmem>>) semaphore(%arg13 : memref<!tpu.dma_semaphore, #tpu.memory_space<semaphore_mem>>)
      } else {
      }
      %dma_wait3A_43 = arith.constant 0 : i32
      %dma_wait3A_44 = tpu.memref_slice %arg7[%add3A_34, %dma_wait3A_43] : memref<50x128xi32, #tpu.memory_space<vmem>> -> memref<1x128xi32, #tpu.memory_space<vmem>>
      %dma_wait3A_45 = tpu.memref_squeeze %dma_wait3A_44 : memref<1x128xi32, #tpu.memory_space<vmem>> -> memref<128xi32, #tpu.memory_space<vmem>>
      %dma_wait3A_46 = arith.constant 0 : i32
      %dma_wait3A_47 = arith.constant 0 : i32
      %dma_wait3A_48 = tpu.memref_slice %arg3[%dma_wait3A_46, %dma_wait3A_47] : memref<100000x128xf32, #tpu.memory_space<hbm>> -> memref<100000x128xf32, #tpu.memory_space<hbm>>
      tpu.wait_indirect_dma semaphore(%arg12 : memref<!tpu.dma_semaphore, #tpu.memory_space<semaphore_mem>>) src(%dma_wait3A_48 : memref<100000x128xf32, #tpu.memory_space<hbm>>) dst(%arg8 : memref<128x128xf32, #tpu.memory_space<vmem>>)
      %dma_wait3A_49 = arith.constant 0 : i32
      %dma_wait3A_50 = tpu.memref_slice %arg7[%add3A_34, %dma_wait3A_49] : memref<50x128xi32, #tpu.memory_space<vmem>> -> memref<1x128xi32, #tpu.memory_space<vmem>>
      %dma_wait3A_51 = tpu.memref_squeeze %dma_wait3A_50 : memref<1x128xi32, #tpu.memory_space<vmem>> -> memref<128xi32, #tpu.memory_space<vmem>>
      %dma_wait3A_52 = arith.constant 0 : i32
      %dma_wait3A_53 = arith.constant 0 : i32
      %dma_wait3A_54 = tpu.memref_slice %arg4[%dma_wait3A_52, %dma_wait3A_53] : memref<100000x128xf32, #tpu.memory_space<hbm>> -> memref<100000x128xf32, #tpu.memory_space<hbm>>
      tpu.wait_indirect_dma semaphore(%arg12 : memref<!tpu.dma_semaphore, #tpu.memory_space<semaphore_mem>>) src(%dma_wait3A_54 : memref<100000x128xf32, #tpu.memory_space<hbm>>) dst(%arg10 : memref<128x128xf32, #tpu.memory_space<vmem>>)
      %mul3A_55 = arith.constant 4096 : i32
      %mul3A_56 = arith.muli %add3A_34, %mul3A_55 : i32
      %add3A_57 = arith.addi %mul3A_56, %mul3A_2 : i32
      %dma_start3A_58 = arith.constant 0 : i32
      %dma_start3A_59 = tpu.memref_slice %arg5[%add3A_57, %dma_start3A_58] : memref<204800x128xf32, #tpu.memory_space<hbm>> -> memref<128x128xf32, #tpu.memory_space<hbm>>
      %dma_start3A_60 = arith.constant 0 : i32
      %dma_start3A_61 = tpu.memref_slice %arg5[%add3A_57, %dma_start3A_60] : memref<204800x128xf32, #tpu.memory_space<hbm>> -> memref<128x128xf32, #tpu.memory_space<hbm>>
      tpu.enqueue_dma source(%arg8 : memref<128x128xf32, #tpu.memory_space<vmem>>) target(%dma_start3A_61 : memref<128x128xf32, #tpu.memory_space<hbm>>) target_semaphore(%arg14 : memref<!tpu.dma_semaphore, #tpu.memory_space<semaphore_mem>>)
      %dma_start3A_62 = arith.constant 0 : i32
      %dma_start3A_63 = tpu.memref_slice %arg6[%add3A_57, %dma_start3A_62] : memref<204800x128xf32, #tpu.memory_space<hbm>> -> memref<128x128xf32, #tpu.memory_space<hbm>>
      %dma_start3A_64 = arith.constant 0 : i32
      %dma_start3A_65 = tpu.memref_slice %arg6[%add3A_57, %dma_start3A_64] : memref<204800x128xf32, #tpu.memory_space<hbm>> -> memref<128x128xf32, #tpu.memory_space<hbm>>
      tpu.enqueue_dma source(%arg10 : memref<128x128xf32, #tpu.memory_space<vmem>>) target(%dma_start3A_65 : memref<128x128xf32, #tpu.memory_space<hbm>>) target_semaphore(%arg14 : memref<!tpu.dma_semaphore, #tpu.memory_space<semaphore_mem>>)
      %mul3A_66 = arith.constant 2 : i32
      %mul3A_67 = arith.muli %mul3A_66, %scan3A_30 : i32
      %add3A_68 = arith.constant 1 : i32
      %add3A_69 = arith.addi %mul3A_67, %add3A_68 : i32
      %ge3A_70 = arith.constant 1 : i32
      %ge3A_71 = arith.cmpi sge, %add3A_69, %ge3A_70 : i32
      %convert_element_type3A_72 = arith.extui %ge3A_71 : i1 to i32
      %cond3A_73 = arith.constant 0 : i32
      %cond3A_74 = arith.cmpi ne, %convert_element_type3A_72, %cond3A_73 : i32
      scf.if %cond3A_74 {
        %sub3A = arith.constant 1 : i32
        %sub3A_105 = arith.subi %add3A_69, %sub3A : i32
        %mul3A_106 = arith.constant 4096 : i32
        %mul3A_107 = arith.muli %sub3A_105, %mul3A_106 : i32
        %add3A_108 = arith.addi %mul3A_107, %mul3A_2 : i32
        %dma_wait3A_109 = arith.constant 0 : i32
        %dma_wait3A_110 = tpu.memref_slice %arg5[%add3A_108, %dma_wait3A_109] : memref<204800x128xf32, #tpu.memory_space<hbm>> -> memref<128x128xf32, #tpu.memory_space<hbm>>
        %dma_wait3A_111 = arith.constant 0 : i32
        %dma_wait3A_112 = tpu.memref_slice %arg5[%add3A_108, %dma_wait3A_111] : memref<204800x128xf32, #tpu.memory_space<hbm>> -> memref<128x128xf32, #tpu.memory_space<hbm>>
        tpu.wait_dma2 semaphore(%arg14 : memref<!tpu.dma_semaphore, #tpu.memory_space<semaphore_mem>>) src(%arg8 : memref<128x128xf32, #tpu.memory_space<vmem>>) dst(%dma_wait3A_112 : memref<128x128xf32, #tpu.memory_space<hbm>>)
        %dma_wait3A_113 = arith.constant 0 : i32
        %dma_wait3A_114 = tpu.memref_slice %arg6[%add3A_108, %dma_wait3A_113] : memref<204800x128xf32, #tpu.memory_space<hbm>> -> memref<128x128xf32, #tpu.memory_space<hbm>>
        %dma_wait3A_115 = arith.constant 0 : i32
        %dma_wait3A_116 = tpu.memref_slice %arg6[%add3A_108, %dma_wait3A_115] : memref<204800x128xf32, #tpu.memory_space<hbm>> -> memref<128x128xf32, #tpu.memory_space<hbm>>
        tpu.wait_dma2 semaphore(%arg14 : memref<!tpu.dma_semaphore, #tpu.memory_space<semaphore_mem>>) src(%arg10 : memref<128x128xf32, #tpu.memory_space<vmem>>) dst(%dma_wait3A_116 : memref<128x128xf32, #tpu.memory_space<hbm>>)
      } else {
      }
      %add3A_75 = arith.constant 1 : i32
      %add3A_76 = arith.addi %add3A_69, %add3A_75 : i32
      %lt3A_77 = arith.constant 50 : i32
      %lt3A_78 = arith.cmpi slt, %add3A_76, %lt3A_77 : i32
      %convert_element_type3A_79 = arith.extui %lt3A_78 : i1 to i32
      %cond3A_80 = arith.constant 0 : i32
      %cond3A_81 = arith.cmpi ne, %convert_element_type3A_79, %cond3A_80 : i32
      scf.if %cond3A_81 {
        %add3A_105 = arith.constant 1 : i32
        %add3A_106 = arith.addi %add3A_69, %add3A_105 : i32
        %dma_start3A_107 = arith.constant 0 : i32
        %dma_start3A_108 = tpu.memref_slice %arg7[%add3A_106, %dma_start3A_107] : memref<50x128xi32, #tpu.memory_space<vmem>> -> memref<1x128xi32, #tpu.memory_space<vmem>>
        %dma_start3A_109 = tpu.memref_squeeze %dma_start3A_108 : memref<1x128xi32, #tpu.memory_space<vmem>> -> memref<128xi32, #tpu.memory_space<vmem>>
        %dma_start3A_110 = arith.constant 0 : i32
        %dma_start3A_111 = arith.constant 0 : i32
        %dma_start3A_112 = tpu.memref_slice %arg3[%dma_start3A_110, %dma_start3A_111] : memref<100000x128xf32, #tpu.memory_space<hbm>> -> memref<100000x128xf32, #tpu.memory_space<hbm>>
        tpu.enqueue_indirect_dma source(%dma_start3A_112 : memref<100000x128xf32, #tpu.memory_space<hbm>>) target(%arg8 : memref<128x128xf32, #tpu.memory_space<vmem>>) offsets(%dma_start3A_109 : memref<128xi32, #tpu.memory_space<vmem>>) semaphore(%arg12 : memref<!tpu.dma_semaphore, #tpu.memory_space<semaphore_mem>>)
        %dma_start3A_113 = arith.constant 0 : i32
        %dma_start3A_114 = tpu.memref_slice %arg7[%add3A_106, %dma_start3A_113] : memref<50x128xi32, #tpu.memory_space<vmem>> -> memref<1x128xi32, #tpu.memory_space<vmem>>
        %dma_start3A_115 = tpu.memref_squeeze %dma_start3A_114 : memref<1x128xi32, #tpu.memory_space<vmem>> -> memref<128xi32, #tpu.memory_space<vmem>>
        %dma_start3A_116 = arith.constant 0 : i32
        %dma_start3A_117 = arith.constant 0 : i32
        %dma_start3A_118 = tpu.memref_slice %arg4[%dma_start3A_116, %dma_start3A_117] : memref<100000x128xf32, #tpu.memory_space<hbm>> -> memref<100000x128xf32, #tpu.memory_space<hbm>>
        tpu.enqueue_indirect_dma source(%dma_start3A_118 : memref<100000x128xf32, #tpu.memory_space<hbm>>) target(%arg10 : memref<128x128xf32, #tpu.memory_space<vmem>>) offsets(%dma_start3A_115 : memref<128xi32, #tpu.memory_space<vmem>>) semaphore(%arg12 : memref<!tpu.dma_semaphore, #tpu.memory_space<semaphore_mem>>)
      } else {
      }
      %dma_wait3A_82 = arith.constant 0 : i32
      %dma_wait3A_83 = tpu.memref_slice %arg7[%add3A_69, %dma_wait3A_82] : memref<50x128xi32, #tpu.memory_space<vmem>> -> memref<1x128xi32, #tpu.memory_space<vmem>>
      %dma_wait3A_84 = tpu.memref_squeeze %dma_wait3A_83 : memref<1x128xi32, #tpu.memory_space<vmem>> -> memref<128xi32, #tpu.memory_space<vmem>>
      %dma_wait3A_85 = arith.constant 0 : i32
      %dma_wait3A_86 = arith.constant 0 : i32
      %dma_wait3A_87 = tpu.memref_slice %arg3[%dma_wait3A_85, %dma_wait3A_86] : memref<100000x128xf32, #tpu.memory_space<hbm>> -> memref<100000x128xf32, #tpu.memory_space<hbm>>
      tpu.wait_indirect_dma semaphore(%arg13 : memref<!tpu.dma_semaphore, #tpu.memory_space<semaphore_mem>>) src(%dma_wait3A_87 : memref<100000x128xf32, #tpu.memory_space<hbm>>) dst(%arg9 : memref<128x128xf32, #tpu.memory_space<vmem>>)
      %dma_wait3A_88 = arith.constant 0 : i32
      %dma_wait3A_89 = tpu.memref_slice %arg7[%add3A_69, %dma_wait3A_88] : memref<50x128xi32, #tpu.memory_space<vmem>> -> memref<1x128xi32, #tpu.memory_space<vmem>>
      %dma_wait3A_90 = tpu.memref_squeeze %dma_wait3A_89 : memref<1x128xi32, #tpu.memory_space<vmem>> -> memref<128xi32, #tpu.memory_space<vmem>>
      %dma_wait3A_91 = arith.constant 0 : i32
      %dma_wait3A_92 = arith.constant 0 : i32
      %dma_wait3A_93 = tpu.memref_slice %arg4[%dma_wait3A_91, %dma_wait3A_92] : memref<100000x128xf32, #tpu.memory_space<hbm>> -> memref<100000x128xf32, #tpu.memory_space<hbm>>
      tpu.wait_indirect_dma semaphore(%arg13 : memref<!tpu.dma_semaphore, #tpu.memory_space<semaphore_mem>>) src(%dma_wait3A_93 : memref<100000x128xf32, #tpu.memory_space<hbm>>) dst(%arg11 : memref<128x128xf32, #tpu.memory_space<vmem>>)
      %mul3A_94 = arith.constant 4096 : i32
      %mul3A_95 = arith.muli %add3A_69, %mul3A_94 : i32
      %add3A_96 = arith.addi %mul3A_95, %mul3A_2 : i32
      %dma_start3A_97 = arith.constant 0 : i32
      %dma_start3A_98 = tpu.memref_slice %arg5[%add3A_96, %dma_start3A_97] : memref<204800x128xf32, #tpu.memory_space<hbm>> -> memref<128x128xf32, #tpu.memory_space<hbm>>
      %dma_start3A_99 = arith.constant 0 : i32
      %dma_start3A_100 = tpu.memref_slice %arg5[%add3A_96, %dma_start3A_99] : memref<204800x128xf32, #tpu.memory_space<hbm>> -> memref<128x128xf32, #tpu.memory_space<hbm>>
      tpu.enqueue_dma source(%arg9 : memref<128x128xf32, #tpu.memory_space<vmem>>) target(%dma_start3A_100 : memref<128x128xf32, #tpu.memory_space<hbm>>) target_semaphore(%arg15 : memref<!tpu.dma_semaphore, #tpu.memory_space<semaphore_mem>>)
      %dma_start3A_101 = arith.constant 0 : i32
      %dma_start3A_102 = tpu.memref_slice %arg6[%add3A_96, %dma_start3A_101] : memref<204800x128xf32, #tpu.memory_space<hbm>> -> memref<128x128xf32, #tpu.memory_space<hbm>>
      %dma_start3A_103 = arith.constant 0 : i32
      %dma_start3A_104 = tpu.memref_slice %arg6[%add3A_96, %dma_start3A_103] : memref<204800x128xf32, #tpu.memory_space<hbm>> -> memref<128x128xf32, #tpu.memory_space<hbm>>
      tpu.enqueue_dma source(%arg11 : memref<128x128xf32, #tpu.memory_space<vmem>>) target(%dma_start3A_104 : memref<128x128xf32, #tpu.memory_space<hbm>>) target_semaphore(%arg15 : memref<!tpu.dma_semaphore, #tpu.memory_space<semaphore_mem>>)
    }
    %scan3A_20 = arith.constant 25 : i32
    %add3A_21 = arith.constant 200704 : i32
    %add3A_22 = arith.addi %add3A_21, %mul3A_2 : i32
    %dma_wait3A = arith.constant 0 : i32
    %dma_wait3A_23 = tpu.memref_slice %arg5[%add3A_22, %dma_wait3A] : memref<204800x128xf32, #tpu.memory_space<hbm>> -> memref<128x128xf32, #tpu.memory_space<hbm>>
    %dma_wait3A_24 = arith.constant 0 : i32
    %dma_wait3A_25 = tpu.memref_slice %arg5[%add3A_22, %dma_wait3A_24] : memref<204800x128xf32, #tpu.memory_space<hbm>> -> memref<128x128xf32, #tpu.memory_space<hbm>>
    tpu.wait_dma2 semaphore(%arg15 : memref<!tpu.dma_semaphore, #tpu.memory_space<semaphore_mem>>) src(%arg9 : memref<128x128xf32, #tpu.memory_space<vmem>>) dst(%dma_wait3A_25 : memref<128x128xf32, #tpu.memory_space<hbm>>)
    %dma_wait3A_26 = arith.constant 0 : i32
    %dma_wait3A_27 = tpu.memref_slice %arg6[%add3A_22, %dma_wait3A_26] : memref<204800x128xf32, #tpu.memory_space<hbm>> -> memref<128x128xf32, #tpu.memory_space<hbm>>
    %dma_wait3A_28 = arith.constant 0 : i32
    %dma_wait3A_29 = tpu.memref_slice %arg6[%add3A_22, %dma_wait3A_28] : memref<204800x128xf32, #tpu.memory_space<hbm>> -> memref<128x128xf32, #tpu.memory_space<hbm>>
    tpu.wait_dma2 semaphore(%arg15 : memref<!tpu.dma_semaphore, #tpu.memory_space<semaphore_mem>>) src(%arg11 : memref<128x128xf32, #tpu.memory_space<vmem>>) dst(%dma_wait3A_29 : memref<128x128xf32, #tpu.memory_space<hbm>>)
    return
  }
}

module attributes {stable_mosaic.version = 14 : i64} {
  func.func @_pre_body(%arg0: i32, %arg1: memref<144x8192xf32, #tpu.memory_space<vmem>>, %arg2: memref<8192x128xf32, #tpu.memory_space<vmem>>, %arg3: memref<8192x128xf32, #tpu.memory_space<vmem>>) attributes {dimension_semantics = [#tpu.dimension_semantics<arbitrary>], iteration_bounds = array<i64: 13>, scalar_prefetch = 0 : i64, scratch_operands = 0 : i64, tpu.core_type = #tpu.core_type<tc>, window_params = [{transform_indices = @transform_0, window_bounds = array<i64: 144, 8192>}, {transform_indices = @transform_1, window_bounds = array<i64: 8192, 128>}, {transform_indices = @transform_2, window_bounds = array<i64: 8192, 128>}]} {
    %get3A = arith.constant 0 : index
    %get3A_0 = arith.constant 0 : index
    %get3A_1 = vector.load %arg1[%get3A, %get3A_0] : memref<144x8192xf32, #tpu.memory_space<vmem>>, vector<144x8192xf32>
    %transpose3A = tpu.transpose %get3A_1, [1, 0] : vector<144x8192xf32> -> vector<8192x144xf32>
    %slice3A = vector.extract_strided_slice %transpose3A {offsets = [0, 0], sizes = [8192, 128], strides = [1, 1]} : vector<8192x144xf32> to vector<8192x128xf32>
    %swap3A = arith.constant 0 : index
    %swap3A_2 = arith.constant 0 : index
    %swap3A_3 = vector.load %arg2[%swap3A, %swap3A_2] : memref<8192x128xf32, #tpu.memory_space<vmem>>, vector<8192x128xf32>
    tpu.vector_store %arg2[%swap3A, %swap3A_2], %slice3A {strides = array<i32>} : memref<8192x128xf32, #tpu.memory_space<vmem>>, vector<8192x128xf32>,
    %slice3A_4 = vector.extract_strided_slice %transpose3A {offsets = [0, 128], sizes = [8192, 16], strides = [1, 1]} : vector<8192x144xf32> to vector<8192x16xf32>
    %broadcast_in_dim3A = arith.constant 0.000000e+00 : f32
    %broadcast_in_dim3A_5 = vector.broadcast %broadcast_in_dim3A : f32 to vector<8192x112xf32>
    %concatenate3A = tpu.concatenate %slice3A_4, %broadcast_in_dim3A_5 in 1 : vector<8192x16xf32>, vector<8192x112xf32> -> vector<8192x128xf32>
    %swap3A_6 = arith.constant 0 : index
    %swap3A_7 = arith.constant 0 : index
    %swap3A_8 = vector.load %arg3[%swap3A_6, %swap3A_7] : memref<8192x128xf32, #tpu.memory_space<vmem>>, vector<8192x128xf32>
    tpu.vector_store %arg3[%swap3A_6, %swap3A_7], %concatenate3A {strides = array<i32>} : memref<8192x128xf32, #tpu.memory_space<vmem>>, vector<8192x128xf32>,
    return
  }
  func.func @transform_0(%arg0: i32) -> (i32, i32) {
    %c0_i32 = arith.constant 0 : i32
    %c0_i32_0 = arith.constant 0 : i32
    return %c0_i32, %arg0 : i32, i32
  }
  func.func @transform_1(%arg0: i32) -> (i32, i32) {
    %c0_i32 = arith.constant 0 : i32
    %c0_i32_0 = arith.constant 0 : i32
    return %arg0, %c0_i32 : i32, i32
  }
  func.func @transform_2(%arg0: i32) -> (i32, i32) {
    %c0_i32 = arith.constant 0 : i32
    %c0_i32_0 = arith.constant 0 : i32
    return %arg0, %c0_i32 : i32, i32
  }
}

module attributes {stable_mosaic.version = 14 : i64} {
  func.func @_tc_body(%arg0: i32, %arg1: i32, %arg2: memref<4096x128xf32, #tpu.memory_space<vmem>>, %arg3: memref<4096x128xf32, #tpu.memory_space<vmem>>, %arg4: memref<1x144x4096xf32, #tpu.memory_space<vmem>>, %arg5: memref<1x24x4096xf32, #tpu.memory_space<vmem>>, %arg6: memref<1x24x4096xf32, #tpu.memory_space<vmem>>, %arg7: memref<1x24x4096xf32, #tpu.memory_space<vmem>>, %arg8: memref<1x24x4096xf32, #tpu.memory_space<vmem>>, %arg9: memref<1x24x4096xf32, #tpu.memory_space<vmem>>, %arg10: memref<1x24x4096xf32, #tpu.memory_space<vmem>>) attributes {dimension_semantics = [#tpu.dimension_semantics<arbitrary>, #tpu.dimension_semantics<arbitrary>], iteration_bounds = array<i64: 50, 1>, scalar_prefetch = 0 : i64, scratch_operands = 0 : i64, tpu.core_type = #tpu.core_type<tc>, window_params = [{transform_indices = @transform_0, window_bounds = array<i64: 4096, 128>}, {transform_indices = @transform_1, window_bounds = array<i64: 4096, 128>}, {transform_indices = @transform_2, window_bounds = array<i64: 1, 144, 4096>}, {transform_indices = @transform_3, window_bounds = array<i64: 1, 24, 4096>}, {transform_indices = @transform_4, window_bounds = array<i64: 1, 24, 4096>}, {transform_indices = @transform_5, window_bounds = array<i64: 1, 24, 4096>}, {transform_indices = @transform_6, window_bounds = array<i64: 1, 24, 4096>}, {transform_indices = @transform_7, window_bounds = array<i64: 1, 24, 4096>}, {transform_indices = @transform_8, window_bounds = array<i64: 1, 24, 4096>}]} {
    %get3A = arith.constant 0 : index
    %get3A_0 = arith.constant 0 : index
    %get3A_1 = vector.load %arg2[%get3A, %get3A_0] : memref<4096x128xf32, #tpu.memory_space<vmem>>, vector<4096x128xf32>
    %get3A_2 = arith.constant 0 : index
    %get3A_3 = arith.constant 0 : index
    %get3A_4 = vector.load %arg3[%get3A_2, %get3A_3] : memref<4096x128xf32, #tpu.memory_space<vmem>>, vector<4096x128xf32>
    %transpose3A = tpu.transpose %get3A_1, [1, 0] : vector<4096x128xf32> -> vector<128x4096xf32>
    %transpose3A_5 = tpu.transpose %get3A_4, [1, 0] : vector<4096x128xf32> -> vector<128x4096xf32>
    %slice3A = vector.extract_strided_slice %transpose3A_5 {offsets = [0, 0], sizes = [16, 4096], strides = [1, 1]} : vector<128x4096xf32> to vector<16x4096xf32>
    %concatenate3A = tpu.concatenate %transpose3A, %slice3A in 0 : vector<128x4096xf32>, vector<16x4096xf32> -> vector<144x4096xf32>
    %swap3A = arith.constant 0 : index
    %swap3A_6 = arith.constant 0 : index
    %swap3A_7 = arith.constant 0 : index
    %swap3A_8 = vector.load %arg4[%swap3A, %swap3A_6, %swap3A_7] : memref<1x144x4096xf32, #tpu.memory_space<vmem>>, vector<1x144x4096xf32>
    %swap3A_9 = vector.shape_cast %swap3A_8 : vector<1x144x4096xf32> to vector<144x4096xf32>
    %swap3A_10 = vector.shape_cast %concatenate3A : vector<144x4096xf32> to vector<1x144x4096xf32>
    tpu.vector_store %arg4[%swap3A, %swap3A_6, %swap3A_7], %swap3A_10 {strides = array<i32>} : memref<1x144x4096xf32, #tpu.memory_space<vmem>>, vector<1x144x4096xf32>,
    %slice3A_11 = vector.extract_strided_slice %concatenate3A {offsets = [0, 0], sizes = [48, 4096], strides = [1, 1]} : vector<144x4096xf32> to vector<48x4096xf32>
    %max3A = arith.constant 0.000000e+00 : f32
    %max3A_12 = vector.broadcast %max3A : f32 to vector<48x4096xf32>
    %max3A_13 = arith.maximumf %slice3A_11, %max3A_12 : vector<48x4096xf32>
    %slice3A_14 = vector.extract_strided_slice %concatenate3A {offsets = [0, 0], sizes = [48, 4096], strides = [1, 1]} : vector<144x4096xf32> to vector<48x4096xf32>
    %abs3A = math.absf %slice3A_14 : vector<48x4096xf32>
    %neg3A = arith.constant 0.000000e+00 : f32
    %neg3A_15 = vector.broadcast %neg3A : f32 to vector<48x4096xf32>
    %neg3A_16 = arith.subf %neg3A_15, %abs3A : vector<48x4096xf32>
    %exp3A = math.exp %neg3A_16 : vector<48x4096xf32>
    %log1p3A = math.log1p %exp3A : vector<48x4096xf32>
    %add3A = arith.addf %max3A_13, %log1p3A : vector<48x4096xf32>
    %slice3A_17 = vector.extract_strided_slice %concatenate3A {offsets = [48, 0], sizes = [96, 4096], strides = [1, 1]} : vector<144x4096xf32> to vector<96x4096xf32>
    %logistic3A = arith.negf %slice3A_17 : vector<96x4096xf32>
    %logistic3A_18 = math.exp %logistic3A : vector<96x4096xf32>
    %logistic3A_19 = arith.constant 1.000000e+00 : f32
    %logistic3A_20 = vector.broadcast %logistic3A_19 : f32 to vector<96x4096xf32>
    %logistic3A_21 = arith.addf %logistic3A_20, %logistic3A_18 : vector<96x4096xf32>
    %logistic3A_22 = arith.divf %logistic3A_20, %logistic3A_21 : vector<96x4096xf32>
    %concatenate3A_23 = tpu.concatenate %add3A, %logistic3A_22 in 0 : vector<48x4096xf32>, vector<96x4096xf32> -> vector<144x4096xf32>
    %slice3A_24 = vector.extract_strided_slice %concatenate3A_23 {offsets = [0, 0], sizes = [24, 4096], strides = [1, 1]} : vector<144x4096xf32> to vector<24x4096xf32>
    %swap3A_25 = arith.constant 0 : index
    %swap3A_26 = arith.constant 0 : index
    %swap3A_27 = arith.constant 0 : index
    %swap3A_28 = vector.load %arg5[%swap3A_25, %swap3A_26, %swap3A_27] : memref<1x24x4096xf32, #tpu.memory_space<vmem>>, vector<1x24x4096xf32>
    %swap3A_29 = vector.shape_cast %swap3A_28 : vector<1x24x4096xf32> to vector<24x4096xf32>
    %swap3A_30 = vector.shape_cast %slice3A_24 : vector<24x4096xf32> to vector<1x24x4096xf32>
    tpu.vector_store %arg5[%swap3A_25, %swap3A_26, %swap3A_27], %swap3A_30 {strides = array<i32>} : memref<1x24x4096xf32, #tpu.memory_space<vmem>>, vector<1x24x4096xf32>,
    %slice3A_31 = vector.extract_strided_slice %concatenate3A_23 {offsets = [24, 0], sizes = [24, 4096], strides = [1, 1]} : vector<144x4096xf32> to vector<24x4096xf32>
    %swap3A_32 = arith.constant 0 : index
    %swap3A_33 = arith.constant 0 : index
    %swap3A_34 = arith.constant 0 : index
    %swap3A_35 = vector.load %arg6[%swap3A_32, %swap3A_33, %swap3A_34] : memref<1x24x4096xf32, #tpu.memory_space<vmem>>, vector<1x24x4096xf32>
    %swap3A_36 = vector.shape_cast %swap3A_35 : vector<1x24x4096xf32> to vector<24x4096xf32>
    %swap3A_37 = vector.shape_cast %slice3A_31 : vector<24x4096xf32> to vector<1x24x4096xf32>
    tpu.vector_store %arg6[%swap3A_32, %swap3A_33, %swap3A_34], %swap3A_37 {strides = array<i32>} : memref<1x24x4096xf32, #tpu.memory_space<vmem>>, vector<1x24x4096xf32>,
    %slice3A_38 = vector.extract_strided_slice %concatenate3A_23 {offsets = [48, 0], sizes = [24, 4096], strides = [1, 1]} : vector<144x4096xf32> to vector<24x4096xf32>
    %swap3A_39 = arith.constant 0 : index
    %swap3A_40 = arith.constant 0 : index
    %swap3A_41 = arith.constant 0 : index
    %swap3A_42 = vector.load %arg7[%swap3A_39, %swap3A_40, %swap3A_41] : memref<1x24x4096xf32, #tpu.memory_space<vmem>>, vector<1x24x4096xf32>
    %swap3A_43 = vector.shape_cast %swap3A_42 : vector<1x24x4096xf32> to vector<24x4096xf32>
    %swap3A_44 = vector.shape_cast %slice3A_38 : vector<24x4096xf32> to vector<1x24x4096xf32>
    tpu.vector_store %arg7[%swap3A_39, %swap3A_40, %swap3A_41], %swap3A_44 {strides = array<i32>} : memref<1x24x4096xf32, #tpu.memory_space<vmem>>, vector<1x24x4096xf32>,
    %slice3A_45 = vector.extract_strided_slice %concatenate3A_23 {offsets = [72, 0], sizes = [24, 4096], strides = [1, 1]} : vector<144x4096xf32> to vector<24x4096xf32>
    %swap3A_46 = arith.constant 0 : index
    %swap3A_47 = arith.constant 0 : index
    %swap3A_48 = arith.constant 0 : index
    %swap3A_49 = vector.load %arg8[%swap3A_46, %swap3A_47, %swap3A_48] : memref<1x24x4096xf32, #tpu.memory_space<vmem>>, vector<1x24x4096xf32>
    %swap3A_50 = vector.shape_cast %swap3A_49 : vector<1x24x4096xf32> to vector<24x4096xf32>
    %swap3A_51 = vector.shape_cast %slice3A_45 : vector<24x4096xf32> to vector<1x24x4096xf32>
    tpu.vector_store %arg8[%swap3A_46, %swap3A_47, %swap3A_48], %swap3A_51 {strides = array<i32>} : memref<1x24x4096xf32, #tpu.memory_space<vmem>>, vector<1x24x4096xf32>,
    %slice3A_52 = vector.extract_strided_slice %concatenate3A_23 {offsets = [96, 0], sizes = [24, 4096], strides = [1, 1]} : vector<144x4096xf32> to vector<24x4096xf32>
    %swap3A_53 = arith.constant 0 : index
    %swap3A_54 = arith.constant 0 : index
    %swap3A_55 = arith.constant 0 : index
    %swap3A_56 = vector.load %arg9[%swap3A_53, %swap3A_54, %swap3A_55] : memref<1x24x4096xf32, #tpu.memory_space<vmem>>, vector<1x24x4096xf32>
    %swap3A_57 = vector.shape_cast %swap3A_56 : vector<1x24x4096xf32> to vector<24x4096xf32>
    %swap3A_58 = vector.shape_cast %slice3A_52 : vector<24x4096xf32> to vector<1x24x4096xf32>
    tpu.vector_store %arg9[%swap3A_53, %swap3A_54, %swap3A_55], %swap3A_58 {strides = array<i32>} : memref<1x24x4096xf32, #tpu.memory_space<vmem>>, vector<1x24x4096xf32>,
    %slice3A_59 = vector.extract_strided_slice %concatenate3A_23 {offsets = [120, 0], sizes = [24, 4096], strides = [1, 1]} : vector<144x4096xf32> to vector<24x4096xf32>
    %swap3A_60 = arith.constant 0 : index
    %swap3A_61 = arith.constant 0 : index
    %swap3A_62 = arith.constant 0 : index
    %swap3A_63 = vector.load %arg10[%swap3A_60, %swap3A_61, %swap3A_62] : memref<1x24x4096xf32, #tpu.memory_space<vmem>>, vector<1x24x4096xf32>
    %swap3A_64 = vector.shape_cast %swap3A_63 : vector<1x24x4096xf32> to vector<24x4096xf32>
    %swap3A_65 = vector.shape_cast %slice3A_59 : vector<24x4096xf32> to vector<1x24x4096xf32>
    tpu.vector_store %arg10[%swap3A_60, %swap3A_61, %swap3A_62], %swap3A_65 {strides = array<i32>} : memref<1x24x4096xf32, #tpu.memory_space<vmem>>, vector<1x24x4096xf32>,
    return
  }
  func.func @transform_0(%arg0: i32, %arg1: i32) -> (i32, i32) {
    %mul3A = arith.constant 1 : i32
    %mul3A_0 = arith.muli %arg0, %mul3A : i32
    %add3A = arith.addi %mul3A_0, %arg1 : i32
    %c0_i32 = arith.constant 0 : i32
    %c0_i32_1 = arith.constant 0 : i32
    return %add3A, %c0_i32 : i32, i32
  }
  func.func @transform_1(%arg0: i32, %arg1: i32) -> (i32, i32) {
    %mul3A = arith.constant 1 : i32
    %mul3A_0 = arith.muli %arg0, %mul3A : i32
    %add3A = arith.addi %mul3A_0, %arg1 : i32
    %c0_i32 = arith.constant 0 : i32
    %c0_i32_1 = arith.constant 0 : i32
    return %add3A, %c0_i32 : i32, i32
  }
  func.func @transform_2(%arg0: i32, %arg1: i32) -> (i32, i32, i32) {
    %c0_i32 = arith.constant 0 : i32
    %c0_i32_0 = arith.constant 0 : i32
    return %arg0, %c0_i32, %arg1 : i32, i32, i32
  }
  func.func @transform_3(%arg0: i32, %arg1: i32) -> (i32, i32, i32) {
    %c0_i32 = arith.constant 0 : i32
    %c0_i32_0 = arith.constant 0 : i32
    return %arg0, %c0_i32, %arg1 : i32, i32, i32
  }
  func.func @transform_4(%arg0: i32, %arg1: i32) -> (i32, i32, i32) {
    %c0_i32 = arith.constant 0 : i32
    %c0_i32_0 = arith.constant 0 : i32
    return %arg0, %c0_i32, %arg1 : i32, i32, i32
  }
  func.func @transform_5(%arg0: i32, %arg1: i32) -> (i32, i32, i32) {
    %c0_i32 = arith.constant 0 : i32
    %c0_i32_0 = arith.constant 0 : i32
    return %arg0, %c0_i32, %arg1 : i32, i32, i32
  }
  func.func @transform_6(%arg0: i32, %arg1: i32) -> (i32, i32, i32) {
    %c0_i32 = arith.constant 0 : i32
    %c0_i32_0 = arith.constant 0 : i32
    return %arg0, %c0_i32, %arg1 : i32, i32, i32
  }
  func.func @transform_7(%arg0: i32, %arg1: i32) -> (i32, i32, i32) {
    %c0_i32 = arith.constant 0 : i32
    %c0_i32_0 = arith.constant 0 : i32
    return %arg0, %c0_i32, %arg1 : i32, i32, i32
  }
  func.func @transform_8(%arg0: i32, %arg1: i32) -> (i32, i32, i32) {
    %c0_i32 = arith.constant 0 : i32
    %c0_i32_0 = arith.constant 0 : i32
    return %arg0, %c0_i32, %arg1 : i32, i32, i32
  }
}

</mosaic_0001>

<sc_bundles>
// kernel: kernel.5.cloned.1.call-start
scs
__scs_entry_jumppad:
0x0: {  	(pc) =	sbr.rel $0x88, $3  }
0x1: {  	(tag) =	ssettag $0x0;
	lr =	simm.s32 $0x1  }
0x2: {  	[smem:$0x3F9F] =	sst lr;
	_ =	strace $0xD0000000  }
0x3: {  	_ = 	snop  }
0x4: {  	_ = 	snop  }
0x5: {  	_ = 	snop  }
0x6: {  	_ = 	snop  }
0x7: {  	_ = 	snop  }
__scs_overlays_trampoline_lowered:
0x8: {  	[smem:$0x3FAE] =	sst s0  }
0x9: {  	[smem:$0x3FAF] =	sst s1  }
0xa: {  	[smem:$0x3FB0] =	sst s2  }
0xb: {  	[smem:$0x3FB1] =	sst s3  }
0xc: {  	[smem:$0x3FB2] =	sst s4  }
0xd: {  	[smem:$0x3FB3] =	sst s5  }
0xe: {  	[smem:$0x3FB4] =	sst s6  }
0xf: {  	[smem:$0x3FB5] =	sst s7  }
0x10: {  	[smem:$0x3FB6] =	sst s8  }
0x11: {  	[smem:$0x3FB7] =	sst s9;
	s0 =	simm.s32 @!p0 $0x0  }
0x12: {  	s1 =	sld [smem:$0x3F9D];
	s0 =	simm.s32 @p0 $0x1  }
0x13: {  	[smem:$0x3FB8] =	sst s0;
	s0 =	simm.s32 @!p1 $0x0  }
0x14: {  	s2 =	sld [smem:$0x3F9C];
	s0 =	simm.s32 @p1 $0x1  }
0x15: {  	[smem:$0x3FB9] =	sst s0;
	s0 =	simm.s32 @!p2 $0x0  }
0x16: {  	s3 =	sld [smem:$0x3FDB];
	s0 =	simm.s32 @p2 $0x1  }
0x17: {  	s4 =	simm.s32 $0x1BF5;
	[smem:$0x3FBB] =	sst s0  }
0x18: {  	s0 =	sld [smem:$0x3F9E];
	_ =	swait.ge [sflag:s4], $0x0  }
0x19: {  	s7 =	sld [smem:$0x3F9F]  }
0x1a: {  	s8 =	sadd.s32 $0xFFFFE003, lr  }
0x1b: {  	s9 =	sadd.s32 $0xFFFFFEF7, lr;
	s5 =	simm.s32 $0xFFFFFFFF;
	p2 =	slt.u32 s8, $0xFFFFF086  }
0x1c: {  	p1 =	slt.u32 s9, $0xF7A;
	s5 =	simm.s32 @!p2 $0x0  }
0x1d: {  	s5 =	simm.s32 @p1 $0x1;
	p0 =	seq.s32 s7, s2  }
0x1e: {  	s7 =	smul.u32 @!p0 $0xF7A, s2;
	p2 =	seq.s32 @!p0 s5, $0x0  }
0x1f: {  	s9 =	smul.u32 $0xF7A, s1;
	s8 =	simm.s32 @!p0 $0x1BF5;
	p2 =	por !p2, p0  }
0x20: {  	[sflag:s8] =	ssyncset.s32 @!p0 $0xFFFFF086;
	s6 =	sadd.s32 @!p0 s3, s7;
	s7 =	simm.s32 @!p0 $0x108  }
0x21: {  	s3 =	sadd.s32 s3, s9;
	s6 =	sadd.s32 @!p0 $0x88, s6;
	s7 =	simm.s32 @p2 $0x1082  }
0x22: {  	[simem:s7], [sflag:s8] =	dma.local @!p0 [hbm:s6], $0xF7A  }
0x23: {  	s9 =	sor.u32 $0xD0000000, s2;
	s6 =	simm.s32 $0x108;
	_ =	swait.ge @!p0 [sflag:s8], $0x0  }
0x24: {  	s3 =	sadd.s32 $0x88, s3;
	s6 =	simm.s32 @!p1 $0x1082;
	[sflag:s4] =	ssyncset.s32 $0xFFFFF086  }
0x25: {  	[simem:s6], [sflag:s4] =	dma.local [hbm:s3], $0xF7A  }
0x26: {  	[smem:$0x3F9F] =	sst s1;
	(tag) =	ssettag s2;
	_ =	strace s9  }
0x27: {  	s1 =	sld [smem:$0x3FAF]  }
0x28: {  	s2 =	sld [smem:$0x3FB0]  }
0x29: {  	s4 =	sld [smem:$0x3FB2]  }
0x2a: {  	p0 =	seq.s32 s5, $0x0;
	s5 =	sld [smem:$0x3FB3]  }
0x2b: {  	s6 =	sld [smem:$0x3FB4]  }
0x2c: {  	s7 =	sld [smem:$0x3FB5]  }
0x2d: {  	s3 =	simm.s32 $0x108;
	s8 =	sld [smem:$0x3FB6]  }
0x2e: {  	s3 =	simm.s32 @!p0 $0x1082;
	s9 =	sld [smem:$0x3FB7]  }
0x2f: {  	lr =	sadd.s32 s0, s3;
	s0 =	sld [smem:$0x3FAE]  }
0x30: {  	s3 =	sld [smem:$0x3FB1]  }
0x31: {  	[smem:$0x3FBA] =	sst s10  }
0x32: {  	s10 =	sld [smem:$0x3FB8];
	_ =	sdelay $0x3  }
0x33: {  	p0 =	seq.s32 s10, $0x1;
	s10 =	sld [smem:$0x3FBA];
	_ =	sdelay $0x3  }
0x34: {  	[smem:$0x3FBA] =	sst s10  }
0x35: {  	s10 =	sld [smem:$0x3FB9];
	_ =	sdelay $0x3  }
0x36: {  	p1 =	seq.s32 s10, $0x1;
	s10 =	sld [smem:$0x3FBA];
	_ =	sdelay $0x3  }
0x37: {  	[smem:$0x3FBA] =	sst s10  }
0x38: {  	s10 =	sld [smem:$0x3FBB]  }
0x39: {  	_ = 	snop;
	(pc) =	sbr.ind lr, $3  }
0x3a: {  	_ = 	snop  }
0x3b: {  	_ = 	snop  }
0x3c: {  	p2 =	seq.s32 s10, $0x1;
	s10 =	sld [smem:$0x3FBA]  }
0x3d: {  	_ =	shalt  }
0x3e: {  	_ =	shalt  }
0x3f: {  	_ =	shalt  }
0x40: {  	_ =	shalt  }
0x41: {  	_ =	shalt  }
0x42: {  	_ =	shalt  }
0x43: {  	_ =	shalt  }
0x44: {  	_ =	shalt  }
0x45: {  	_ =	shalt  }
0x46: {  	_ =	shalt  }
0x47: {  	_ =	shalt  }
0x48: {  	_ =	shalt  }
0x49: {  	_ =	shalt  }
0x4a: {  	_ =	shalt  }
0x4b: {  	_ =	shalt  }
0x4c: {  	_ =	shalt  }
0x4d: {  	_ =	shalt  }
0x4e: {  	_ =	shalt  }
0x4f: {  	_ =	shalt  }
0x50: {  	_ =	shalt  }
0x51: {  	_ =	shalt  }
0x52: {  	_ =	shalt  }
0x53: {  	_ =	shalt  }
0x54: {  	_ =	shalt  }
0x55: {  	_ =	shalt  }
0x56: {  	_ =	shalt  }
0x57: {  	_ =	shalt  }
0x58: {  	_ =	shalt  }
0x59: {  	_ =	shalt  }
0x5a: {  	_ =	shalt  }
0x5b: {  	_ =	shalt  }
0x5c: {  	_ =	shalt  }
0x5d: {  	_ =	shalt  }
0x5e: {  	_ =	shalt  }
0x5f: {  	_ =	shalt  }
0x60: {  	_ =	shalt  }
0x61: {  	_ =	shalt  }
0x62: {  	_ =	shalt  }
0x63: {  	_ =	shalt  }
0x64: {  	_ =	shalt  }
0x65: {  	_ =	shalt  }
0x66: {  	_ =	shalt  }
0x67: {  	_ =	shalt  }
0x68: {  	_ =	shalt  }
0x69: {  	_ =	shalt  }
0x6a: {  	_ =	shalt  }
0x6b: {  	_ =	shalt  }
0x6c: {  	_ =	shalt  }
0x6d: {  	_ =	shalt  }
0x6e: {  	_ =	shalt  }
0x6f: {  	_ =	shalt  }
0x70: {  	_ =	shalt  }
0x71: {  	_ =	shalt  }
0x72: {  	_ =	shalt  }
0x73: {  	_ =	shalt  }
0x74: {  	_ =	shalt  }
0x75: {  	_ =	shalt  }
0x76: {  	_ =	shalt  }
0x77: {  	_ =	shalt  }
0x78: {  	_ =	shalt  }
0x79: {  	_ =	shalt  }
0x7a: {  	_ =	shalt  }
0x7b: {  	_ =	shalt  }
0x7c: {  	_ =	shalt  }
0x7d: {  	_ =	shalt  }
0x7e: {  	_ =	shalt  }
0x7f: {  	_ =	shalt  }
0x80: {  	_ =	shalt  }
0x81: {  	_ =	shalt  }
0x82: {  	_ =	shalt  }
0x83: {  	_ =	shalt  }
0x84: {  	_ =	shalt  }
0x85: {  	_ =	shalt  }
0x86: {  	_ =	shalt  }
0x87: {  	_ =	shalt  }
.Lfunc_end0:
.L_simem_size_0:
called_computation_lowered:
.L_overlay_start_0:
0x88: {  	s2 =	sld [smem:$0x3FD9]  }
0x89: {  	s3 =	sld [smem:$0x3FFE];
	_ =	sdelay $0x1  }
0x8a: {  	s1 =	srdreg.scid  }
0x8b: {  	s0 =	sand.u32 $0x1, s1  }
0x8c: {  	s14 =	sshll.u32 s0, $0xA;
	s2 =	sadd.s32 s3, s2  }
0x8d: {  	s2 =	sadd.s32 s2, s14  }
0x8e: {  	[smem:$0x3FC6] =	sst s2  }
0x8f: {  	_ = 	snop  }
0x90: {  	s2 =	sld [smem:$0x3FD0];
	_ =	sdelay $0x2  }
0x91: {  	s15 =	simm.s32 $0xA;
	s4 =	simm.s32 $0x10  }
0x92: {  	[smem:s4], [sflag:s15] =	dma.local [hbm:s2], $0x1  }
0x93: {  	_ =	swait.eq [sflag:s15], $0x1  }
0x94: {  	[sflag:s15] =	ssyncset.done $0x0  }
0x95: {  	s16 =	sld [smem:$0x10];
	[sflag:s15] =	ssyncadd.s32 $0xFFFFFFFF  }
0x96: {  	s17 =	sld [smem:$0x13];
	(tm) =	ssettm $0x1  }
0x97: {  	s18 =	sld [smem:$0x3FFB];
	_ =	sdelay $0x3  }
0x98: {  	_ =	strace s18  }
0x99: {  	s4 =	sld [smem:$0x3FFC];
	_ =	sdelay $0x3  }
0x9a: {  	_ =	strace s4  }
0x9b: {  	s4 =	sld [smem:$0x3FFD];
	_ =	sdelay $0x3  }
0x9c: {  	_ =	strace s4  }
0x9d: {  	_ =	strace $0x8FFFFFFF  }
0x9e: {  	s19 =	sld [smem:$0x3FDB];
	_ =	sdelay $0x1  }
0x9f: {  	s5 =	simm.s32 $_scs_section_size  }
0xa0: {  	s6 =	simm.s32 $_size__tile_overlayer_lowered;
	s7 =	simm.s32 $_tile_overlayer_lowered  }
0xa1: {  	s22 =	simm.s32 $0x1BFF;
	s21 =	sshll.u32 s7, $0x1;
	s4 =	sadd.s32 s5, s19  }
0xa2: {  	s8 =	simm.s32 $0x0;
	s20 =	sshll.u32 s6, $0x1;
	s6 =	sadd.s32 s21, s4  }
0xa3: {  	[timem:s8], [sflag:s22] =	dma.local [hbm:s6], s20  }
0xa4: {  	_ =	swait.ge [sflag:s22], s20  }
0xa5: {  	s5 =	ssub.s32 $0x0, s20;
	[sflag:s22] =	ssyncset.done $0x0  }
0xa6: {  	[sflag:s22] =	ssyncadd.s32 s5;
	_ =	sdelay $0x1  }
0xa7: {  	s23 =	simm.s32 $0x1B8B  }
0xa8: {  	_ =	swait.ge [sflag:s23], $0x1  }
0xa9: {  	[sflag:s23] =	ssyncset.done $0x0  }
0xaa: {  	s25 =	simm.s32 $0x1B8E;
	s24 =	sld [smem:$0x3FFE];
	[sflag:s23] =	ssyncadd.s32 $0xFFFFFFFF  }
0xab: {  	s26 =	simm.s32 $execute0_lowered;
	[smem:$0x3FD2] =	sst s25  }
0xac: {  	s6 =	sshll.u32 s26, $0x1;
	_ =	strace $0x80000046;
	[dreg:$0x1] =	wrdreg $0xFFFFFFFF  }
0xad: {  	s28 =	simm.s32 $_size_execute0_lowered;
	s4 =	sadd.s32 s4, s6;
	[dreg:$0x0] =	wrdreg $0x0  }
0xae: {  	s6 =	sshll.u32 s28, $0x1;
	[dreg:$0x2] =	wrdreg s4  }
0xaf: {  	[dreg:$0x3] =	wrdreg s6  }
0xb0: {  	[dreg:$0x4] =	wrdreg $0xC0  }
0xb1: {  	_ =	task [dreg:s8], $0x5FFFF  }
0xb2: {  	[dreg:$0x1] =	wrdreg $0xFFFFFFFF  }
0xb3: {  	[dreg:$0x0] =	wrdreg $0x60  }
0xb4: {  	[dreg:$0x2] =	wrdreg s17  }
0xb5: {  	[dreg:$0x3] =	wrdreg s16  }
0xb6: {  	[dreg:$0x4] =	wrdreg s24  }
0xb7: {  	[dreg:$0x5] =	wrdreg $0x9  }
0xb8: {  	_ =	task.clear_ibuf [dreg:s8], $0x6FFFF;
	_ =	strace $0x90000046  }
0xb9: {  	s29 =	simm.s32 $0x9;
	_ =	strace $0x80000048  }
0xba: {  	_ =	swait.ge [sflag:s29], $0x1  }
0xbb: {  	[sflag:s29] =	ssyncadd.s32 $0xFFFFFFFF  }
0xbc: {  	_ =	strace $0x90000048  }
0xbd: {  	_ =	sfence  }
0xbe: {  	s30 =	sld [smem:$0x0];
	_ =	sdelay $0x2  }
0xbf: {  	s31 =	sshll.u32 s1, $0xD;
	s1 =	sshrl.u32 s1, $0x2  }
0xc0: {  	s3 =	sand.u32 $0x4000, s31;
	s1 =	sadd.s32 s1, s30  }
0xc1: {  	s0 =	sor.u32 s3, s0;
	s1 =	sshll.u32 s1, $0x11  }
0xc2: {  	s0 =	sor.u32 s1, s0  }
0xc3: {  	s0 =	sadd.s32 $0x8F2B, s0  }
0xc4: {  	[sflag:s0] =	ssyncadd.remote.s32 $0x1  }
0xc5: {  	_ =	sfence.sel $0xFFFF  }
0xc6: {  	[dreg:$0x0] =	wrdreg $0xFFFFFFFF;
	(pc) =	sbr.abs _section_cstart, $3  }
0xc7: {  	[dreg:$0x1] =	wrdreg $0xFFFFFFFF  }
0xc8: {  	_ =	task.clear_ibuf [dreg:s8], $0x2FFFF;
	_ =	strace $0x9FFFFFFF  }
0xc9: {  	(tm) =	ssettm $0x7FFFFFFF  }
tec
execute0_lowered:
.L_overlay_start_1:
0x0: {  	(tag) =	ssettag $0x1  }
0x1: {  	s0 =	rddreg [dreg:$0x0]  }
0x2: {  	s1 =	rddreg [dreg:$0x1]  }
0x3: {  	s3 =	rddreg [dreg:$0x2]  }
0x4: {  	s2 =	simm.s32 $0x0;
	s5 =	srdreg.scid;
	s16 =	stileid.u32  }
0x5: {  	s19 =	simm.s32 $0x5;
	s20 =	simm.s32 $0x1900;
	s28 =	simm.s32 $0x2  }
0x6: {  	s29 =	simm.s32 $0x4;
	s30 =	simm.s32 $0x1880;
	s31 =	simm.s32 $0x0  }
0x7: {  	[smem:$0x7FF] =	sst s2;
	s4 =	sadd.s32 $0xC00, s3;
	s14 =	sadd.s32 $0x187600, s3  }
0x8: {  	s15 =	sand.u32 $0x1, s5;
	s6 =	sshll.u32 s16, $0x8;
	s3 =	sadd.s32 $0x4A7600, s3  }
0x9: {  	s16 =	sshll.u32 s16, $0xC;
	_ =	strace $0x80000047;
	s5 =	ssub.s32 $0x2, s15  }
0xa: {  	s7 =	sshll.u32 s15, $0x7;
	s17 =	sadd.s32 s16, s14;
	s18 =	sshll.u32 s15, $0xB  }
0xb: {  	s26 =	sadd.s32 s16, s3;
	s8 =	sshrl.u32 s5, $0x1;
	s6 =	sor.u32 s7, s6  }
0xc: {  	s15 =	sadd.s32 s18, s17;
	s16 =	sadd.s32 s18, s26;
	s17 =	simm.s32 $0x80  }
0xd: {  	s26 =	simm.s32 $0x100;
	s21 =	ssub.s32 s5, s8;
	s22 =	sshrl.u32 s6, $0x3  }
0xe: {  	s13 =	sshll.u32 s6, $0x4;
	s0 =	sadd.s32 s0, s22;
	s23 =	smax.u32 s21, $0x1  }
0xf: {  	s7 =	sadd.s32 s14, s13;
	s8 =	sadd.s32 s3, s13;
	s24 =	sor.u32 $0x10000, s13  }
0x10: {  	s12 =	sor.u32 $0x300000, s13;
	s25 =	sor.u32 $0x310000, s13;
	[dreg:$0x4] =	wrdreg s0  }
0x11: {  	s21 =	simm.s32 $0x9900;
	s22 =	simm.s32 $0x5900;
	[dreg:$0x5] =	wrdreg s23  }
0x12: {  	s9 =	sadd.s32 s14, s24;
	s10 =	sadd.s32 s3, s24;
	s11 =	sadd.s32 s14, s12  }
0x13: {  	s12 =	sadd.s32 s3, s12;
	s13 =	sadd.s32 s14, s25;
	s14 =	sadd.s32 s3, s25  }
0x14: {  	s23 =	simm.s32 $0xD900;
	s24 =	simm.s32 $0x1;
	s25 =	simm.s32 $0x3  }
.LBB2_1:
0x15: {  	s0 =	rddreg [dreg:$0x4];
	s3 =	simm.s32 $0x1000  }
0x16: {  	[tilespmem:s2], [sflag:$0x5] =	stream.strided.gather [hbm4b:s0+s17], $0x1900, s3, s17, $0x38;
	[tilespmem:$0x11900] =	vst v63  }
0x17: {  	_ =	swait.ge [sflag:s19], $0x1900  }
0x18: {  	[sflag:s19] =	ssyncset.done $0x0  }
0x19: {  	[sflag:s19] =	ssyncadd.s32 $0xFFFFE700  }
0x1a: {  	[tilespmem:s20], [sflag:$0x1] =	stream.indirect.gather [hbm4b:s1+s17], $0x80, s2, s17, $0xb8;
	[tilespmem:$0x11900] =	vst v63  }
0x1b: {  	_ = 	snop  }
0x1c: {  	[tilespmem:s21], [sflag:$0x1] =	stream.indirect.gather [hbm4b:s4+s17], $0x80, s2, s17, $0xb8;
	[tilespmem:$0x11900] =	vst v63  }
0x1d: {  	_ = 	snop  }
0x1e: {  	[tilespmem:s22], [sflag:$0x2] =	stream.indirect.gather [hbm4b:s1+s17], $0x80, s17, s17, $0xb8;
	[tilespmem:$0x11900] =	vst v63  }
0x1f: {  	_ = 	snop  }
0x20: {  	[tilespmem:s23], [sflag:$0x2] =	stream.indirect.gather [hbm4b:s4+s17], $0x80, s17, s17, $0xb8;
	[tilespmem:$0x11900] =	vst v63  }
0x21: {  	_ =	swait.ge [sflag:s24], $0x4000  }
0x22: {  	[sflag:s24] =	ssyncset.done $0x0  }
0x23: {  	[sflag:s24] =	ssyncadd.s32 $0xFFFFC000  }
0x24: {  	_ =	swait.ge [sflag:s24], $0x4000  }
0x25: {  	[sflag:s24] =	ssyncset.done $0x0  }
0x26: {  	[sflag:s24] =	ssyncadd.s32 $0xFFFFC000  }
0x27: {  	[hbm4b:s7+s2] =	stream.linear.scatter [tilespmem:s20], [sflag:$0x3], $0x4000, $0x38;
	[tilespmem:$0x11900] =	vst v63  }
0x28: {  	_ = 	snop  }
0x29: {  	[hbm4b:s8+s2] =	stream.linear.scatter [tilespmem:s21], [sflag:$0x3], $0x4000, $0x38;
	[tilespmem:$0x11900] =	vst v63  }
0x2a: {  	_ =	swait.ge [sflag:s25], $0x4000  }
0x2b: {  	[sflag:s25] =	ssyncset.done $0x0  }
0x2c: {  	[sflag:s25] =	ssyncadd.s32 $0xFFFFC000  }
0x2d: {  	_ =	swait.ge [sflag:s25], $0x4000  }
0x2e: {  	[sflag:s25] =	ssyncset.done $0x0  }
0x2f: {  	[sflag:s25] =	ssyncadd.s32 $0xFFFFC000  }
0x30: {  	[tilespmem:s20], [sflag:$0x1] =	stream.indirect.gather [hbm4b:s1+s17], $0x80, s26, s17, $0xb8;
	[tilespmem:$0x11900] =	vst v63  }
0x31: {  	_ = 	snop  }
0x32: {  	[tilespmem:s21], [sflag:$0x1] =	stream.indirect.gather [hbm4b:s4+s17], $0x80, s26, s17, $0xb8;
	[tilespmem:$0x11900] =	vst v63  }
0x33: {  	_ =	swait.ge [sflag:s28], $0x4000  }
0x34: {  	[sflag:s28] =	ssyncset.done $0x0  }
0x35: {  	[sflag:s28] =	ssyncadd.s32 $0xFFFFC000  }
0x36: {  	_ =	swait.ge [sflag:s28], $0x4000  }
0x37: {  	[sflag:s28] =	ssyncset.done $0x0  }
0x38: {  	[sflag:s28] =	ssyncadd.s32 $0xFFFFC000  }
0x39: {  	[hbm4b:s9+s2] =	stream.linear.scatter [tilespmem:s22], [sflag:$0x4], $0x4000, $0x38;
	[tilespmem:$0x11900] =	vst v63  }
0x3a: {  	_ = 	snop  }
0x3b: {  	[hbm4b:s10+s2] =	stream.linear.scatter [tilespmem:s23], [sflag:$0x4], $0x4000, $0x38;
	[tilespmem:$0x11900] =	vst v63  }
0x3c: {  	_ =	swait.ge [sflag:s29], $0x4000  }
0x3d: {  	[sflag:s29] =	ssyncset.done $0x0  }
0x3e: {  	[sflag:s29] =	ssyncadd.s32 $0xFFFFC000  }
0x3f: {  	_ =	swait.ge [sflag:s29], $0x4000  }
0x40: {  	[sflag:s29] =	ssyncset.done $0x0  }
0x41: {  	s5 =	simm.s32 $0x180;
	[sflag:s29] =	ssyncadd.s32 $0xFFFFC000  }
0x42: {  	[tilespmem:s22], [sflag:$0x2] =	stream.indirect.gather [hbm4b:s1+s17], $0x80, s5, s17, $0xb8;
	[tilespmem:$0x11900] =	vst v63  }
0x43: {  	_ = 	snop  }
0x44: {  	[tilespmem:s23], [sflag:$0x2] =	stream.indirect.gather [hbm4b:s4+s17], $0x80, s5, s17, $0xb8;
	[tilespmem:$0x11900] =	vst v63  }
0x45: {  	_ =	swait.ge [sflag:s24], $0x4000  }
0x46: {  	[sflag:s24] =	ssyncset.done $0x0  }
0x47: {  	[sflag:s24] =	ssyncadd.s32 $0xFFFFC000  }
0x48: {  	_ =	swait.ge [sflag:s24], $0x4000  }
0x49: {  	s0 =	sadd.s32 $0x0, s15;
	[sflag:s24] =	ssyncset.done $0x0  }
0x4a: {  	s18 =	sadd.s32 $0x0, s16;
	s6 =	sadd.s32 $0x20000, s0;
	[sflag:s24] =	ssyncadd.s32 $0xFFFFC000  }
0x4b: {  	[hbm4b:s6+s2] =	stream.linear.scatter [tilespmem:s20], [sflag:$0x3], $0x4000, $0x38;
	[tilespmem:$0x11900] =	vst v63  }
0x4c: {  	s5 =	sadd.s32 $0x20000, s18  }
0x4d: {  	[hbm4b:s5+s2] =	stream.linear.scatter [tilespmem:s21], [sflag:$0x3], $0x4000, $0x38;
	[tilespmem:$0x11900] =	vst v63  }
0x4e: {  	_ =	swait.ge [sflag:s25], $0x4000  }
0x4f: {  	[sflag:s25] =	ssyncset.done $0x0  }
0x50: {  	[sflag:s25] =	ssyncadd.s32 $0xFFFFC000  }
0x51: {  	_ =	swait.ge [sflag:s25], $0x4000  }
0x52: {  	[sflag:s25] =	ssyncset.done $0x0  }
0x53: {  	s6 =	simm.s32 $0x200;
	[sflag:s25] =	ssyncadd.s32 $0xFFFFC000  }
0x54: {  	[tilespmem:s20], [sflag:$0x1] =	stream.indirect.gather [hbm4b:s1+s17], $0x80, s6, s17, $0xb8;
	[tilespmem:$0x11900] =	vst v63  }
0x55: {  	_ = 	snop  }
0x56: {  	[tilespmem:s21], [sflag:$0x1] =	stream.indirect.gather [hbm4b:s4+s17], $0x80, s6, s17, $0xb8;
	[tilespmem:$0x11900] =	vst v63  }
0x57: {  	_ =	swait.ge [sflag:s28], $0x4000  }
0x58: {  	[sflag:s28] =	ssyncset.done $0x0  }
0x59: {  	[sflag:s28] =	ssyncadd.s32 $0xFFFFC000  }
0x5a: {  	_ =	swait.ge [sflag:s28], $0x4000  }
0x5b: {  	[sflag:s28] =	ssyncset.done $0x0  }
0x5c: {  	s0 =	sadd.s32 $0x30000, s0;
	[sflag:s28] =	ssyncadd.s32 $0xFFFFC000  }
0x5d: {  	[hbm4b:s0+s2] =	stream.linear.scatter [tilespmem:s22], [sflag:$0x4], $0x4000, $0x38;
	[tilespmem:$0x11900] =	vst v63  }
0x5e: {  	s3 =	simm.s32 $0x300;
	s18 =	sadd.s32 $0x30000, s18;
	s0 =	simm.s32 $0x20000  }
.LBB2_2:
0x5f: {  	[hbm4b:s18+s2] =	stream.linear.scatter [tilespmem:s23], [sflag:$0x4], $0x4000, $0x38;
	[tilespmem:$0x11900] =	vst v63  }
0x60: {  	s18 =	smov.u32 s0  }
0x61: {  	p0 =	sne.s32 s0, $0x2C0000;
	s0 =	sadd.s32 $0x20000, s0;
	_ =	swait.ge [sflag:s29], $0x4000  }
0x62: {  	[sflag:s29] =	ssyncset.done $0x0  }
0x63: {  	[sflag:s29] =	ssyncadd.s32 $0xFFFFC000  }
0x64: {  	_ =	swait.ge [sflag:s29], $0x4000  }
0x65: {  	[sflag:s29] =	ssyncset.done $0x0  }
0x66: {  	s5 =	sadd.s32 $0xFFFFFF80, s3;
	[sflag:s29] =	ssyncadd.s32 $0xFFFFC000  }
0x67: {  	[tilespmem:s22], [sflag:$0x2] =	stream.indirect.gather [hbm4b:s1+s17], $0x80, s5, s17, $0xb8;
	[tilespmem:$0x11900] =	vst v63  }
0x68: {  	_ = 	snop  }
0x69: {  	[tilespmem:s23], [sflag:$0x2] =	stream.indirect.gather [hbm4b:s4+s17], $0x80, s5, s17, $0xb8;
	[tilespmem:$0x11900] =	vst v63  }
0x6a: {  	_ =	swait.ge [sflag:s24], $0x4000  }
0x6b: {  	[sflag:s24] =	ssyncset.done $0x0  }
0x6c: {  	[sflag:s24] =	ssyncadd.s32 $0xFFFFC000  }
0x6d: {  	_ =	swait.ge [sflag:s24], $0x4000  }
0x6e: {  	s5 =	sadd.s32 s18, s15;
	[sflag:s24] =	ssyncset.done $0x0  }
0x6f: {  	s18 =	sadd.s32 s18, s16;
	s6 =	sadd.s32 $0x20000, s5;
	[sflag:s24] =	ssyncadd.s32 $0xFFFFC000  }
0x70: {  	[hbm4b:s6+s2] =	stream.linear.scatter [tilespmem:s20], [sflag:$0x3], $0x4000, $0x38;
	[tilespmem:$0x11900] =	vst v63  }
0x71: {  	s6 =	sadd.s32 $0x20000, s18  }
0x72: {  	[hbm4b:s6+s2] =	stream.linear.scatter [tilespmem:s21], [sflag:$0x3], $0x4000, $0x38;
	[tilespmem:$0x11900] =	vst v63  }
0x73: {  	_ =	swait.ge [sflag:s25], $0x4000  }
0x74: {  	[sflag:s25] =	ssyncset.done $0x0  }
0x75: {  	[sflag:s25] =	ssyncadd.s32 $0xFFFFC000  }
0x76: {  	_ =	swait.ge [sflag:s25], $0x4000  }
0x77: {  	[sflag:s25] =	ssyncset.done $0x0  }
0x78: {  	[sflag:s25] =	ssyncadd.s32 $0xFFFFC000  }
0x79: {  	[tilespmem:s20], [sflag:$0x1] =	stream.indirect.gather [hbm4b:s1+s17], $0x80, s3, s17, $0xb8;
	[tilespmem:$0x11900] =	vst v63  }
0x7a: {  	_ = 	snop  }
0x7b: {  	[tilespmem:s21], [sflag:$0x1] =	stream.indirect.gather [hbm4b:s4+s17], $0x80, s3, s17, $0xb8;
	[tilespmem:$0x11900] =	vst v63  }
0x7c: {  	_ =	swait.ge [sflag:s28], $0x4000  }
0x7d: {  	[sflag:s28] =	ssyncset.done $0x0  }
0x7e: {  	[sflag:s28] =	ssyncadd.s32 $0xFFFFC000  }
.Ltmp0:
0x7f: {  	_ =	swait.ge [sflag:s28], $0x4000;
	(pc) =	sbr.rel @p0 .LBB2_2-.Ltmp0, $4  }
0x80: {  	[sflag:s28] =	ssyncset.done $0x0  }
0x81: {  	s5 =	sadd.s32 $0x30000, s5;
	[sflag:s28] =	ssyncadd.s32 $0xFFFFC000  }
0x82: {  	[hbm4b:s5+s2] =	stream.linear.scatter [tilespmem:s22], [sflag:$0x4], $0x4000, $0x38;
	[tilespmem:$0x11900] =	vst v63  }
0x83: {  	s18 =	sadd.s32 $0x30000, s18;
	s3 =	sadd.s32 $0x100, s3  }
0x84: {  	[hbm4b:s18+s2] =	stream.linear.scatter [tilespmem:s23], [sflag:$0x4], $0x4000, $0x38;
	[tilespmem:$0x11900] =	vst v63  }
0x85: {  	_ =	swait.ge [sflag:s29], $0x4000  }
0x86: {  	[sflag:s29] =	ssyncset.done $0x0  }
0x87: {  	[sflag:s29] =	ssyncadd.s32 $0xFFFFC000  }
0x88: {  	_ =	swait.ge [sflag:s29], $0x4000  }
0x89: {  	[sflag:s29] =	ssyncset.done $0x0  }
0x8a: {  	[sflag:s29] =	ssyncadd.s32 $0xFFFFC000  }
0x8b: {  	[tilespmem:s22], [sflag:$0x2] =	stream.indirect.gather [hbm4b:s1+s17], $0x80, s30, s17, $0xb8;
	[tilespmem:$0x11900] =	vst v63  }
0x8c: {  	_ = 	snop  }
0x8d: {  	[tilespmem:s23], [sflag:$0x2] =	stream.indirect.gather [hbm4b:s4+s17], $0x80, s30, s17, $0xb8;
	[tilespmem:$0x11900] =	vst v63  }
0x8e: {  	_ =	swait.ge [sflag:s24], $0x4000  }
0x8f: {  	[sflag:s24] =	ssyncset.done $0x0  }
0x90: {  	[sflag:s24] =	ssyncadd.s32 $0xFFFFC000  }
0x91: {  	_ =	swait.ge [sflag:s24], $0x4000  }
0x92: {  	[sflag:s24] =	ssyncset.done $0x0  }
0x93: {  	[sflag:s24] =	ssyncadd.s32 $0xFFFFC000  }
0x94: {  	[hbm4b:s11+s2] =	stream.linear.scatter [tilespmem:s20], [sflag:$0x3], $0x4000, $0x38;
	[tilespmem:$0x11900] =	vst v63  }
0x95: {  	_ = 	snop  }
0x96: {  	[hbm4b:s12+s2] =	stream.linear.scatter [tilespmem:s21], [sflag:$0x3], $0x4000, $0x38;
	[tilespmem:$0x11900] =	vst v63  }
0x97: {  	_ =	swait.ge [sflag:s25], $0x4000  }
0x98: {  	[sflag:s25] =	ssyncset.done $0x0  }
0x99: {  	[sflag:s25] =	ssyncadd.s32 $0xFFFFC000  }
0x9a: {  	_ =	swait.ge [sflag:s25], $0x4000  }
0x9b: {  	[sflag:s25] =	ssyncset.done $0x0  }
0x9c: {  	[sflag:s25] =	ssyncadd.s32 $0xFFFFC000  }
0x9d: {  	_ =	swait.ge [sflag:s28], $0x4000  }
0x9e: {  	[sflag:s28] =	ssyncset.done $0x0  }
0x9f: {  	[sflag:s28] =	ssyncadd.s32 $0xFFFFC000  }
0xa0: {  	_ =	swait.ge [sflag:s28], $0x4000  }
0xa1: {  	[sflag:s28] =	ssyncset.done $0x0  }
0xa2: {  	[sflag:s28] =	ssyncadd.s32 $0xFFFFC000  }
0xa3: {  	[hbm4b:s13+s2] =	stream.linear.scatter [tilespmem:s22], [sflag:$0x4], $0x4000, $0x38;
	[tilespmem:$0x11900] =	vst v63  }
0xa4: {  	_ = 	snop  }
0xa5: {  	[hbm4b:s14+s2] =	stream.linear.scatter [tilespmem:s23], [sflag:$0x4], $0x4000, $0x38;
	[tilespmem:$0x11900] =	vst v63  }
0xa6: {  	_ =	swait.ge [sflag:s29], $0x4000  }
0xa7: {  	[sflag:s29] =	ssyncset.done $0x0  }
0xa8: {  	[sflag:s29] =	ssyncadd.s32 $0xFFFFC000  }
0xa9: {  	_ =	swait.ge [sflag:s29], $0x4000  }
0xaa: {  	s31 =	sadd.s32 $0x1, s31;
	s0 =	rddreg [dreg:$0x5]  }
0xab: {  	p0 =	sne.s32 s31, s0  }
.Ltmp1:
0xac: {  	_ = 	snop;
	(pc) =	sbr.rel @p0 .LBB2_1-.Ltmp1, $3  }
0xad: {  	_ =	sdelay $0x1  }
0xae: {  	[sflag:s29] =	ssyncset.done $0x0  }
0xaf: {  	[sflag:s29] =	ssyncadd.s32 $0xFFFFC000  }
0xb0: {  	_ =	sfence.sel $0x180000  }
0xb1: {  	[bflag:$0x0] =	sbarrier.arrive $0xFFFF  }
0xb2: {  	_ =	strace $0x90000047  }
0xb3: {  	s0 =	stileid.u32;
	[bflag:$0x2] =	sbarrier.arrive $0xFFFF  }
0xb4: {  	p0 =	sne.s32 s0, $0x0;
	s0 =	rddreg [dreg:$0x3]  }
0xb5: {  	s0 =	sadd.s32 @!p0 $0x100000, s0  }
0xb6: {  	[sflag:s0] =	ssyncadd.tile.s32 @!p0 $0x1;
	_ =	shalt  }
.Lfunc_end2:
_tile_overlayer_lowered:
.L_overlay_start_2:
0xb7: {  	(tag) =	ssettag $0x2  }
0xb8: {  	s0 =	rddreg [dreg:$0x0];
	s2 =	stileid.u32  }
0xb9: {  	s1 =	rddreg [dreg:$0x1];
	p0 =	sne.s32 s2, $0x0  }
0xba: {  	s3 =	rddreg [dreg:$0x2];
	[bflag:$0x3] =	sbarrier.arrive $0xFFFF;
	s2 =	simm.s32 @!p0 $0x1C05  }
0xbb: {  	[timem:s3], [sflag:s2] =	dma.local @!p0 [hbm:s0], s1  }
0xbc: {  	s0 =	simm.s32 @!p0 $0x5  }
0xbd: {  	_ =	swait.ge @!p0 [sflag:s0], s1  }
0xbe: {  	s1 =	ssub.s32 @!p0 $0x0, s1;
	[sflag:s0] =	ssyncset.done @!p0 $0x0  }
0xbf: {  	[sflag:s0] =	ssyncadd.s32 @!p0 s1  }
0xc0: {  	[bflag:$0x3] =	sbarrier.arrive $0xFFFF  }
0xc1: {  	_ =	shalt  }

</sc_bundles>
